<compile_context>
chip_gen: v7x
topology: tpu7x:2x2x1
jax: 0.10.2.dev20260603
libtpu: 0.0.44.dev20260713+nightly
codegen_flags: <defaults>
</compile_context>

<pallas_src>
import dataclasses
import functools

import jax
import jax.numpy as jnp
from jax import lax
from jax.experimental import pallas as pl
from jax.experimental.pallas import tpu as pltpu
from jax.experimental.pallas import tpu_sc as plsc

COMMITMENT = 0.25
SC_LANES = 16
NUM_WORKERS = 32


def _vq_tc_body(z_ref, e_ref, idx_ref, loss_ref):
    C = z_ref.shape[1]
    zb = z_ref[0].reshape(C, -1)
    emb = e_ref[...]
    K = emb.shape[0]
    N = zb.shape[1]
    nm2 = -(emb + emb)
    scores2 = lax.dot_general(
        nm2, zb, (((1,), (0,)), ((), ())),
        preferred_element_type=jnp.float32)
    esq = jnp.sum(emb * emb, axis=1, keepdims=True)
    t = zb * zb
    while t.shape[0] > 1:
        h = t.shape[0] // 2
        t = t[:h] + t[h:]
    zsq = t
    dist = (zsq + scores2) + esq
    m = jnp.min(dist, axis=0, keepdims=True)
    kiota = lax.broadcasted_iota(jnp.int32, (K, 1), 0).astype(jnp.float32)
    idxf = jnp.min(jnp.where(dist == m, kiota, float(K)), axis=0)
    idx_ref[0, 0, :] = idxf.astype(jnp.int32)
    loss_ref[0, 0, :] = jnp.broadcast_to(jnp.sum(m), (loss_ref.shape[2],))


def _sc_gather_body(chunk, e_hbm, idx_hbm, out_hbm, idxv, rows_v, sem):
    wid = lax.axis_index("s") * 2 + lax.axis_index("c")
    B, N, D = out_hbm.shape
    nq = N // chunk
    b = wid // nq
    n0 = (wid % nq) * chunk
    pltpu.sync_copy(idx_hbm.at[b, 0, pl.ds(n0, chunk)], idxv)
    copies = []
    for k in range(chunk // 128):
        copies.append(pltpu.async_copy(
            e_hbm.at[idxv.at[pl.ds(k * 128, 128)]],
            rows_v.at[pl.ds(k * 128, 128)], sem))
    for cp in copies:
        cp.wait()
    pltpu.sync_copy(rows_v, out_hbm.at[b, pl.ds(n0, chunk)])


def _fin_body(x_ref, o_ref):
    x = x_ref[0]
    C, H, W = o_ref.shape[1:]
    parts = [jnp.transpose(x[:, q * C:(q + 1) * C]) for q in range(4)]
    o_ref[0] = jnp.concatenate(parts, axis=1).reshape(C, H, W)


def kernel(z, embedding_weight):
    B, C, H, W = z.shape
    K, D = embedding_weight.shape
    N = H * W

    idx3, loss3 = pl.pallas_call(
        _vq_tc_body,
        grid=(B,),
        in_specs=[
            pl.BlockSpec((1, C, H, W), lambda b: (b, 0, 0, 0)),
            pl.BlockSpec((K, D), lambda b: (0, 0)),
        ],
        out_specs=[
            pl.BlockSpec((1, 1, N), lambda b: (b, 0, 0)),
            pl.BlockSpec((1, 1, 128), lambda b: (b, 0, 0)),
        ],
        out_shape=[
            jax.ShapeDtypeStruct((B, 1, N), jnp.int32),
            jax.ShapeDtypeStruct((B, 1, 128), jnp.float32),
        ],
    )(z, embedding_weight)

    chunk = (B * N) // NUM_WORKERS
    sc_params = pltpu.CompilerParams(
        needs_layout_passes=False, use_tc_tiling_on_sc=False)
    sc_gather = pl.kernel(
        functools.partial(_sc_gather_body, chunk),
        out_type=jax.ShapeDtypeStruct((B, N, D), jnp.float32),
        mesh=plsc.VectorSubcoreMesh(core_axis_name="c", subcore_axis_name="s"),
        scratch_types=[
            pltpu.VMEM((chunk,), jnp.int32),
            pltpu.VMEM((chunk, D), jnp.float32),
            pltpu.SemaphoreType.DMA,
        ],
        compiler_params=sc_params,
    )
    idx_pm = idx3.reshape(B, 4, N // 4).transpose(0, 2, 1).reshape(B, 1, N)
    rows = sc_gather(embedding_weight, idx_pm)

    quant = pl.pallas_call(
        _fin_body,
        grid=(B,),
        in_specs=[pl.BlockSpec((1, N * D // 128, 128), lambda b: (b, 0, 0))],
        out_specs=pl.BlockSpec((1, C, H, W), lambda b: (b, 0, 0, 0)),
        out_shape=jax.ShapeDtypeStruct((B, C, H, W), jnp.float32),
    )(rows.reshape(B, N * D // 128, 128))

    s = loss3[:, 0, 0]
    vq_loss = jnp.mean(s + COMMITMENT * s)
    return (quant, vq_loss, idx3.reshape(B, N))

# --- scband reference (transcript-rebuilt; emitter-appended) ---
"""Pipeline reference for scband-vector-quantizer-29549374996683 (READ-ONLY COPY).

The authoritative reference and input builder live on the scoring server;
editing this copy changes nothing except your own understanding.
"""

import jax, jax.numpy as jnp
import numpy as np

NUM_EMBEDDINGS = 512
EMBEDDING_DIM = 32
COMMITMENT_COST = 0.25


def setup_inputs(seed: int = 0) -> dict:
    key = jax.random.key(seed)
    k1, k2 = jax.random.split(key)
    z = jax.random.normal(k1, (8, 32, 64, 64), dtype=jnp.float32)
    lim = 1.0 / NUM_EMBEDDINGS
    embedding_weight = jax.random.uniform(
        k2, (NUM_EMBEDDINGS, EMBEDDING_DIM), dtype=jnp.float32,
        minval=-lim, maxval=lim)
    return {"z": z, "embedding_weight": embedding_weight}


def reference(z, embedding_weight):
    B, C, H, W = z.shape
    K = embedding_weight.shape[0]
    z_perm = jnp.transpose(z, (0, 2, 3, 1))
    flat_z = z_perm.reshape(B, -1, C)
    distances = (
        jnp.sum(flat_z ** 2, axis=-1, keepdims=True)
        - 2.0 * (flat_z @ embedding_weight.T)
        + jnp.sum(embedding_weight ** 2, axis=1)
    )
    encoding_indices = jnp.argmin(distances, axis=2)
    encodings = jax.nn.one_hot(encoding_indices, K, dtype=jnp.float32)
    quantized = jnp.matmul(encodings, embedding_weight)
    quantized = quantized.reshape(B, H, W, C)
    e_latent_loss = jnp.sum((jax.lax.stop_gradient(quantized) - z_perm) ** 2, axis=(1, 2, 3))
    q_latent_loss = jnp.sum((quantized - jax.lax.stop_gradient(z_perm)) ** 2, axis=(1, 2, 3))
    vq_loss = jnp.mean(q_latent_loss + COMMITMENT_COST * e_latent_loss)
    quantized_st = z_perm + jax.lax.stop_gradient(quantized - z_perm)
    quantized_out = jnp.transpose(quantized_st, (0, 3, 1, 2))
    return (quantized_out, vq_loss, encoding_indices)

if __name__ == "__main__":
    import jax
    _d = setup_inputs()
    print(jax.jit(kernel)(*tuple(_d.values())))

</pallas_src>

<mosaic_0001>
#map = affine_map<(d0, d1) -> (0, 0)>
#map1 = affine_map<(d0, d1) -> (0, 0, 0)>
module attributes {stable_mosaic.version = 14 : i64} {
  func.func @_sc_gather_body(%arg0: i32, %arg1: i32, %arg2: memref<512x32xf32, #tpu.memory_space<hbm>>, %arg3: memref<8x1x4096xi32, #tpu.memory_space<hbm>>, %arg4: memref<8x4096x32xf32, #tpu.memory_space<hbm>>, %arg5: memref<1024xi32, #tpu.memory_space<vmem>>, %arg6: memref<1024x32xf32, #tpu.memory_space<vmem>>, %arg7: memref<!tpu.dma_semaphore, #tpu.memory_space<semaphore_mem>>) attributes {dimension_semantics = [#tpu.dimension_semantics<core_parallel>, #tpu.dimension_semantics<subcore_parallel>], iteration_bounds = array<i64: 2, 16>, scalar_prefetch = 0 : i64, scratch_operands = 3 : i64, tpu.core_type = #tpu.core_type<sc_vector_subcore>, window_params = [{transform_indices = #map}, {transform_indices = #map1}, {transform_indices = #map1}]} {
    %mul3A = arith.constant 2 : i32
    %mul3A_0 = arith.muli %arg1, %mul3A : i32
    %add3A = arith.addi %mul3A_0, %arg0 : i32
    %jit3A = arith.constant 4 : i32
    %div3A = arith.divsi %add3A, %jit3A : i32
    %sign3A = arith.constant 0 : i32
    %sign3A_1 = arith.cmpi sgt, %add3A, %sign3A : i32
    %sign3A_2 = arith.extui %sign3A_1 : i1 to i32
    %sign3A_3 = arith.constant 0 : i32
    %sign3A_4 = arith.cmpi slt, %add3A, %sign3A_3 : i32
    %sign3A_5 = arith.extui %sign3A_4 : i1 to i32
    %sign3A_6 = arith.subi %sign3A_2, %sign3A_5 : i32
    %sign3A_7 = arith.constant 0 : i32
    %sign3A_8 = arith.cmpi sgt, %jit3A, %sign3A_7 : i32
    %sign3A_9 = arith.extui %sign3A_8 : i1 to i32
    %sign3A_10 = arith.constant 0 : i32
    %sign3A_11 = arith.cmpi slt, %jit3A, %sign3A_10 : i32
    %sign3A_12 = arith.extui %sign3A_11 : i1 to i32
    %sign3A_13 = arith.subi %sign3A_9, %sign3A_12 : i32
    %ne3A = arith.cmpi ne, %sign3A_6, %sign3A_13 : i32
    %rem3A = arith.remsi %add3A, %jit3A : i32
    %ne3A_14 = arith.constant 0 : i32
    %ne3A_15 = arith.cmpi ne, %rem3A, %ne3A_14 : i32
    %and3A = arith.andi %ne3A, %ne3A_15 : i1
    %sub3A = arith.constant 1 : i32
    %sub3A_16 = arith.subi %div3A, %sub3A : i32
    %select_n3A = arith.select %and3A, %sub3A_16, %div3A : i32
    %jit3A_17 = arith.constant 4 : i32
    %eq3A = arith.constant 0 : i32
    %eq3A_18 = arith.cmpi eq, %jit3A_17, %eq3A : i32
    %jit3A_19 = arith.constant 1 : i32
    %select_n3A_20 = arith.select %eq3A_18, %jit3A_19, %jit3A_17 : i32
    %rem3A_21 = arith.remsi %add3A, %select_n3A_20 : i32
    %ne3A_22 = arith.constant 0 : i32
    %ne3A_23 = arith.cmpi ne, %rem3A_21, %ne3A_22 : i32
    %lt3A = arith.constant 0 : i32
    %lt3A_24 = arith.cmpi slt, %rem3A_21, %lt3A : i32
    %lt3A_25 = arith.constant 0 : i32
    %lt3A_26 = arith.cmpi slt, %select_n3A_20, %lt3A_25 : i32
    %ne3A_27 = arith.xori %lt3A_24, %lt3A_26 : i1
    %and3A_28 = arith.andi %ne3A_27, %ne3A_23 : i1
    %add3A_29 = arith.addi %rem3A_21, %select_n3A_20 : i32
    %select_n3A_30 = arith.select %and3A_28, %add3A_29, %rem3A_21 : i32
    %mul3A_31 = arith.constant 1024 : i32
    %mul3A_32 = arith.muli %select_n3A_30, %mul3A_31 : i32
    %run_scoped3A = arith.constant 0 : i32
    "tpu.region"() ({
      %run_scoped3A_159 = tpu.sem_alloc : memref<!tpu.dma_semaphore, #tpu.memory_space<semaphore_mem>>
      %dma_start3A_160 = tpu.memref_slice %arg3[%select_n3A, %run_scoped3A, %mul3A_32] : memref<8x1x4096xi32, #tpu.memory_space<hbm>> -> memref<1x1x1024xi32, #tpu.memory_space<hbm>>
      %dma_start3A_161 = tpu.memref_squeeze %dma_start3A_160 : memref<1x1x1024xi32, #tpu.memory_space<hbm>> -> memref<1024xi32, #tpu.memory_space<hbm>>
      %dma_start3A_162 = tpu.memref_slice %arg3[%select_n3A, %run_scoped3A, %mul3A_32] : memref<8x1x4096xi32, #tpu.memory_space<hbm>> -> memref<1x1x1024xi32, #tpu.memory_space<hbm>>
      %dma_start3A_163 = tpu.memref_squeeze %dma_start3A_162 : memref<1x1x1024xi32, #tpu.memory_space<hbm>> -> memref<1024xi32, #tpu.memory_space<hbm>>
      tpu.enqueue_dma source(%dma_start3A_163 : memref<1024xi32, #tpu.memory_space<hbm>>) target(%arg5 : memref<1024xi32, #tpu.memory_space<vmem>>) target_semaphore(%run_scoped3A_159 : memref<!tpu.dma_semaphore, #tpu.memory_space<semaphore_mem>>)
      %dma_wait3A_164 = tpu.memref_slice %arg3[%select_n3A, %run_scoped3A, %mul3A_32] : memref<8x1x4096xi32, #tpu.memory_space<hbm>> -> memref<1x1x1024xi32, #tpu.memory_space<hbm>>
      %dma_wait3A_165 = tpu.memref_squeeze %dma_wait3A_164 : memref<1x1x1024xi32, #tpu.memory_space<hbm>> -> memref<1024xi32, #tpu.memory_space<hbm>>
      %dma_wait3A_166 = tpu.memref_slice %arg3[%select_n3A, %run_scoped3A, %mul3A_32] : memref<8x1x4096xi32, #tpu.memory_space<hbm>> -> memref<1x1x1024xi32, #tpu.memory_space<hbm>>
      %dma_wait3A_167 = tpu.memref_squeeze %dma_wait3A_166 : memref<1x1x1024xi32, #tpu.memory_space<hbm>> -> memref<1024xi32, #tpu.memory_space<hbm>>
      tpu.wait_dma2 semaphore(%run_scoped3A_159 : memref<!tpu.dma_semaphore, #tpu.memory_space<semaphore_mem>>) src(%dma_wait3A_167 : memref<1024xi32, #tpu.memory_space<hbm>>) dst(%arg5 : memref<1024xi32, #tpu.memory_space<vmem>>)
      tpu.yield
    }) : () -> ()
    %dma_start3A = arith.constant 0 : i32
    %dma_start3A_33 = arith.constant 0 : i32
    %dma_start3A_34 = tpu.memref_slice %arg6[%dma_start3A, %dma_start3A_33] : memref<1024x32xf32, #tpu.memory_space<vmem>> -> memref<128x32xf32, #tpu.memory_space<vmem>>
    %dma_start3A_35 = arith.constant 0 : i32
    %dma_start3A_36 = tpu.memref_slice %arg5[%dma_start3A_35] : memref<1024xi32, #tpu.memory_space<vmem>> -> memref<128xi32, #tpu.memory_space<vmem>>
    %dma_start3A_37 = arith.constant 0 : i32
    %dma_start3A_38 = arith.constant 0 : i32
    %dma_start3A_39 = tpu.memref_slice %arg2[%dma_start3A_37, %dma_start3A_38] : memref<512x32xf32, #tpu.memory_space<hbm>> -> memref<512x32xf32, #tpu.memory_space<hbm>>
    tpu.enqueue_indirect_dma source(%dma_start3A_39 : memref<512x32xf32, #tpu.memory_space<hbm>>) target(%dma_start3A_34 : memref<128x32xf32, #tpu.memory_space<vmem>>) offsets(%dma_start3A_36 : memref<128xi32, #tpu.memory_space<vmem>>) semaphore(%arg7 : memref<!tpu.dma_semaphore, #tpu.memory_space<semaphore_mem>>)
    %dma_start3A_40 = arith.constant 128 : i32
    %dma_start3A_41 = arith.constant 0 : i32
    %dma_start3A_42 = tpu.memref_slice %arg6[%dma_start3A_40, %dma_start3A_41] : memref<1024x32xf32, #tpu.memory_space<vmem>> -> memref<128x32xf32, #tpu.memory_space<vmem>>
    %dma_start3A_43 = arith.constant 128 : i32
    %dma_start3A_44 = tpu.memref_slice %arg5[%dma_start3A_43] : memref<1024xi32, #tpu.memory_space<vmem>> -> memref<128xi32, #tpu.memory_space<vmem>>
    %dma_start3A_45 = arith.constant 0 : i32
    %dma_start3A_46 = arith.constant 0 : i32
    %dma_start3A_47 = tpu.memref_slice %arg2[%dma_start3A_45, %dma_start3A_46] : memref<512x32xf32, #tpu.memory_space<hbm>> -> memref<512x32xf32, #tpu.memory_space<hbm>>
    tpu.enqueue_indirect_dma source(%dma_start3A_47 : memref<512x32xf32, #tpu.memory_space<hbm>>) target(%dma_start3A_42 : memref<128x32xf32, #tpu.memory_space<vmem>>) offsets(%dma_start3A_44 : memref<128xi32, #tpu.memory_space<vmem>>) semaphore(%arg7 : memref<!tpu.dma_semaphore, #tpu.memory_space<semaphore_mem>>)
    %dma_start3A_48 = arith.constant 256 : i32
    %dma_start3A_49 = arith.constant 0 : i32
    %dma_start3A_50 = tpu.memref_slice %arg6[%dma_start3A_48, %dma_start3A_49] : memref<1024x32xf32, #tpu.memory_space<vmem>> -> memref<128x32xf32, #tpu.memory_space<vmem>>
    %dma_start3A_51 = arith.constant 256 : i32
    %dma_start3A_52 = tpu.memref_slice %arg5[%dma_start3A_51] : memref<1024xi32, #tpu.memory_space<vmem>> -> memref<128xi32, #tpu.memory_space<vmem>>
    %dma_start3A_53 = arith.constant 0 : i32
    %dma_start3A_54 = arith.constant 0 : i32
    %dma_start3A_55 = tpu.memref_slice %arg2[%dma_start3A_53, %dma_start3A_54] : memref<512x32xf32, #tpu.memory_space<hbm>> -> memref<512x32xf32, #tpu.memory_space<hbm>>
    tpu.enqueue_indirect_dma source(%dma_start3A_55 : memref<512x32xf32, #tpu.memory_space<hbm>>) target(%dma_start3A_50 : memref<128x32xf32, #tpu.memory_space<vmem>>) offsets(%dma_start3A_52 : memref<128xi32, #tpu.memory_space<vmem>>) semaphore(%arg7 : memref<!tpu.dma_semaphore, #tpu.memory_space<semaphore_mem>>)
    %dma_start3A_56 = arith.constant 384 : i32
    %dma_start3A_57 = arith.constant 0 : i32
    %dma_start3A_58 = tpu.memref_slice %arg6[%dma_start3A_56, %dma_start3A_57] : memref<1024x32xf32, #tpu.memory_space<vmem>> -> memref<128x32xf32, #tpu.memory_space<vmem>>
    %dma_start3A_59 = arith.constant 384 : i32
    %dma_start3A_60 = tpu.memref_slice %arg5[%dma_start3A_59] : memref<1024xi32, #tpu.memory_space<vmem>> -> memref<128xi32, #tpu.memory_space<vmem>>
    %dma_start3A_61 = arith.constant 0 : i32
    %dma_start3A_62 = arith.constant 0 : i32
    %dma_start3A_63 = tpu.memref_slice %arg2[%dma_start3A_61, %dma_start3A_62] : memref<512x32xf32, #tpu.memory_space<hbm>> -> memref<512x32xf32, #tpu.memory_space<hbm>>
    tpu.enqueue_indirect_dma source(%dma_start3A_63 : memref<512x32xf32, #tpu.memory_space<hbm>>) target(%dma_start3A_58 : memref<128x32xf32, #tpu.memory_space<vmem>>) offsets(%dma_start3A_60 : memref<128xi32, #tpu.memory_space<vmem>>) semaphore(%arg7 : memref<!tpu.dma_semaphore, #tpu.memory_space<semaphore_mem>>)
    %dma_start3A_64 = arith.constant 512 : i32
    %dma_start3A_65 = arith.constant 0 : i32
    %dma_start3A_66 = tpu.memref_slice %arg6[%dma_start3A_64, %dma_start3A_65] : memref<1024x32xf32, #tpu.memory_space<vmem>> -> memref<128x32xf32, #tpu.memory_space<vmem>>
    %dma_start3A_67 = arith.constant 512 : i32
    %dma_start3A_68 = tpu.memref_slice %arg5[%dma_start3A_67] : memref<1024xi32, #tpu.memory_space<vmem>> -> memref<128xi32, #tpu.memory_space<vmem>>
    %dma_start3A_69 = arith.constant 0 : i32
    %dma_start3A_70 = arith.constant 0 : i32
    %dma_start3A_71 = tpu.memref_slice %arg2[%dma_start3A_69, %dma_start3A_70] : memref<512x32xf32, #tpu.memory_space<hbm>> -> memref<512x32xf32, #tpu.memory_space<hbm>>
    tpu.enqueue_indirect_dma source(%dma_start3A_71 : memref<512x32xf32, #tpu.memory_space<hbm>>) target(%dma_start3A_66 : memref<128x32xf32, #tpu.memory_space<vmem>>) offsets(%dma_start3A_68 : memref<128xi32, #tpu.memory_space<vmem>>) semaphore(%arg7 : memref<!tpu.dma_semaphore, #tpu.memory_space<semaphore_mem>>)
    %dma_start3A_72 = arith.constant 640 : i32
    %dma_start3A_73 = arith.constant 0 : i32
    %dma_start3A_74 = tpu.memref_slice %arg6[%dma_start3A_72, %dma_start3A_73] : memref<1024x32xf32, #tpu.memory_space<vmem>> -> memref<128x32xf32, #tpu.memory_space<vmem>>
    %dma_start3A_75 = arith.constant 640 : i32
    %dma_start3A_76 = tpu.memref_slice %arg5[%dma_start3A_75] : memref<1024xi32, #tpu.memory_space<vmem>> -> memref<128xi32, #tpu.memory_space<vmem>>
    %dma_start3A_77 = arith.constant 0 : i32
    %dma_start3A_78 = arith.constant 0 : i32
    %dma_start3A_79 = tpu.memref_slice %arg2[%dma_start3A_77, %dma_start3A_78] : memref<512x32xf32, #tpu.memory_space<hbm>> -> memref<512x32xf32, #tpu.memory_space<hbm>>
    tpu.enqueue_indirect_dma source(%dma_start3A_79 : memref<512x32xf32, #tpu.memory_space<hbm>>) target(%dma_start3A_74 : memref<128x32xf32, #tpu.memory_space<vmem>>) offsets(%dma_start3A_76 : memref<128xi32, #tpu.memory_space<vmem>>) semaphore(%arg7 : memref<!tpu.dma_semaphore, #tpu.memory_space<semaphore_mem>>)
    %dma_start3A_80 = arith.constant 768 : i32
    %dma_start3A_81 = arith.constant 0 : i32
    %dma_start3A_82 = tpu.memref_slice %arg6[%dma_start3A_80, %dma_start3A_81] : memref<1024x32xf32, #tpu.memory_space<vmem>> -> memref<128x32xf32, #tpu.memory_space<vmem>>
    %dma_start3A_83 = arith.constant 768 : i32
    %dma_start3A_84 = tpu.memref_slice %arg5[%dma_start3A_83] : memref<1024xi32, #tpu.memory_space<vmem>> -> memref<128xi32, #tpu.memory_space<vmem>>
    %dma_start3A_85 = arith.constant 0 : i32
    %dma_start3A_86 = arith.constant 0 : i32
    %dma_start3A_87 = tpu.memref_slice %arg2[%dma_start3A_85, %dma_start3A_86] : memref<512x32xf32, #tpu.memory_space<hbm>> -> memref<512x32xf32, #tpu.memory_space<hbm>>
    tpu.enqueue_indirect_dma source(%dma_start3A_87 : memref<512x32xf32, #tpu.memory_space<hbm>>) target(%dma_start3A_82 : memref<128x32xf32, #tpu.memory_space<vmem>>) offsets(%dma_start3A_84 : memref<128xi32, #tpu.memory_space<vmem>>) semaphore(%arg7 : memref<!tpu.dma_semaphore, #tpu.memory_space<semaphore_mem>>)
    %dma_start3A_88 = arith.constant 896 : i32
    %dma_start3A_89 = arith.constant 0 : i32
    %dma_start3A_90 = tpu.memref_slice %arg6[%dma_start3A_88, %dma_start3A_89] : memref<1024x32xf32, #tpu.memory_space<vmem>> -> memref<128x32xf32, #tpu.memory_space<vmem>>
    %dma_start3A_91 = arith.constant 896 : i32
    %dma_start3A_92 = tpu.memref_slice %arg5[%dma_start3A_91] : memref<1024xi32, #tpu.memory_space<vmem>> -> memref<128xi32, #tpu.memory_space<vmem>>
    %dma_start3A_93 = arith.constant 0 : i32
    %dma_start3A_94 = arith.constant 0 : i32
    %dma_start3A_95 = tpu.memref_slice %arg2[%dma_start3A_93, %dma_start3A_94] : memref<512x32xf32, #tpu.memory_space<hbm>> -> memref<512x32xf32, #tpu.memory_space<hbm>>
    tpu.enqueue_indirect_dma source(%dma_start3A_95 : memref<512x32xf32, #tpu.memory_space<hbm>>) target(%dma_start3A_90 : memref<128x32xf32, #tpu.memory_space<vmem>>) offsets(%dma_start3A_92 : memref<128xi32, #tpu.memory_space<vmem>>) semaphore(%arg7 : memref<!tpu.dma_semaphore, #tpu.memory_space<semaphore_mem>>)
    %dma_wait3A = arith.constant 0 : i32
    %dma_wait3A_96 = arith.constant 0 : i32
    %dma_wait3A_97 = tpu.memref_slice %arg6[%dma_wait3A, %dma_wait3A_96] : memref<1024x32xf32, #tpu.memory_space<vmem>> -> memref<128x32xf32, #tpu.memory_space<vmem>>
    %dma_wait3A_98 = arith.constant 0 : i32
    %dma_wait3A_99 = tpu.memref_slice %arg5[%dma_wait3A_98] : memref<1024xi32, #tpu.memory_space<vmem>> -> memref<128xi32, #tpu.memory_space<vmem>>
    %dma_wait3A_100 = arith.constant 0 : i32
    %dma_wait3A_101 = arith.constant 0 : i32
    %dma_wait3A_102 = tpu.memref_slice %arg2[%dma_wait3A_100, %dma_wait3A_101] : memref<512x32xf32, #tpu.memory_space<hbm>> -> memref<512x32xf32, #tpu.memory_space<hbm>>
    tpu.wait_indirect_dma semaphore(%arg7 : memref<!tpu.dma_semaphore, #tpu.memory_space<semaphore_mem>>) src(%dma_wait3A_102 : memref<512x32xf32, #tpu.memory_space<hbm>>) dst(%dma_wait3A_97 : memref<128x32xf32, #tpu.memory_space<vmem>>)
    %dma_wait3A_103 = arith.constant 128 : i32
    %dma_wait3A_104 = arith.constant 0 : i32
    %dma_wait3A_105 = tpu.memref_slice %arg6[%dma_wait3A_103, %dma_wait3A_104] : memref<1024x32xf32, #tpu.memory_space<vmem>> -> memref<128x32xf32, #tpu.memory_space<vmem>>
    %dma_wait3A_106 = arith.constant 128 : i32
    %dma_wait3A_107 = tpu.memref_slice %arg5[%dma_wait3A_106] : memref<1024xi32, #tpu.memory_space<vmem>> -> memref<128xi32, #tpu.memory_space<vmem>>
    %dma_wait3A_108 = arith.constant 0 : i32
    %dma_wait3A_109 = arith.constant 0 : i32
    %dma_wait3A_110 = tpu.memref_slice %arg2[%dma_wait3A_108, %dma_wait3A_109] : memref<512x32xf32, #tpu.memory_space<hbm>> -> memref<512x32xf32, #tpu.memory_space<hbm>>
    tpu.wait_indirect_dma semaphore(%arg7 : memref<!tpu.dma_semaphore, #tpu.memory_space<semaphore_mem>>) src(%dma_wait3A_110 : memref<512x32xf32, #tpu.memory_space<hbm>>) dst(%dma_wait3A_105 : memref<128x32xf32, #tpu.memory_space<vmem>>)
    %dma_wait3A_111 = arith.constant 256 : i32
    %dma_wait3A_112 = arith.constant 0 : i32
    %dma_wait3A_113 = tpu.memref_slice %arg6[%dma_wait3A_111, %dma_wait3A_112] : memref<1024x32xf32, #tpu.memory_space<vmem>> -> memref<128x32xf32, #tpu.memory_space<vmem>>
    %dma_wait3A_114 = arith.constant 256 : i32
    %dma_wait3A_115 = tpu.memref_slice %arg5[%dma_wait3A_114] : memref<1024xi32, #tpu.memory_space<vmem>> -> memref<128xi32, #tpu.memory_space<vmem>>
    %dma_wait3A_116 = arith.constant 0 : i32
    %dma_wait3A_117 = arith.constant 0 : i32
    %dma_wait3A_118 = tpu.memref_slice %arg2[%dma_wait3A_116, %dma_wait3A_117] : memref<512x32xf32, #tpu.memory_space<hbm>> -> memref<512x32xf32, #tpu.memory_space<hbm>>
    tpu.wait_indirect_dma semaphore(%arg7 : memref<!tpu.dma_semaphore, #tpu.memory_space<semaphore_mem>>) src(%dma_wait3A_118 : memref<512x32xf32, #tpu.memory_space<hbm>>) dst(%dma_wait3A_113 : memref<128x32xf32, #tpu.memory_space<vmem>>)
    %dma_wait3A_119 = arith.constant 384 : i32
    %dma_wait3A_120 = arith.constant 0 : i32
    %dma_wait3A_121 = tpu.memref_slice %arg6[%dma_wait3A_119, %dma_wait3A_120] : memref<1024x32xf32, #tpu.memory_space<vmem>> -> memref<128x32xf32, #tpu.memory_space<vmem>>
    %dma_wait3A_122 = arith.constant 384 : i32
    %dma_wait3A_123 = tpu.memref_slice %arg5[%dma_wait3A_122] : memref<1024xi32, #tpu.memory_space<vmem>> -> memref<128xi32, #tpu.memory_space<vmem>>
    %dma_wait3A_124 = arith.constant 0 : i32
    %dma_wait3A_125 = arith.constant 0 : i32
    %dma_wait3A_126 = tpu.memref_slice %arg2[%dma_wait3A_124, %dma_wait3A_125] : memref<512x32xf32, #tpu.memory_space<hbm>> -> memref<512x32xf32, #tpu.memory_space<hbm>>
    tpu.wait_indirect_dma semaphore(%arg7 : memref<!tpu.dma_semaphore, #tpu.memory_space<semaphore_mem>>) src(%dma_wait3A_126 : memref<512x32xf32, #tpu.memory_space<hbm>>) dst(%dma_wait3A_121 : memref<128x32xf32, #tpu.memory_space<vmem>>)
    %dma_wait3A_127 = arith.constant 512 : i32
    %dma_wait3A_128 = arith.constant 0 : i32
    %dma_wait3A_129 = tpu.memref_slice %arg6[%dma_wait3A_127, %dma_wait3A_128] : memref<1024x32xf32, #tpu.memory_space<vmem>> -> memref<128x32xf32, #tpu.memory_space<vmem>>
    %dma_wait3A_130 = arith.constant 512 : i32
    %dma_wait3A_131 = tpu.memref_slice %arg5[%dma_wait3A_130] : memref<1024xi32, #tpu.memory_space<vmem>> -> memref<128xi32, #tpu.memory_space<vmem>>
    %dma_wait3A_132 = arith.constant 0 : i32
    %dma_wait3A_133 = arith.constant 0 : i32
    %dma_wait3A_134 = tpu.memref_slice %arg2[%dma_wait3A_132, %dma_wait3A_133] : memref<512x32xf32, #tpu.memory_space<hbm>> -> memref<512x32xf32, #tpu.memory_space<hbm>>
    tpu.wait_indirect_dma semaphore(%arg7 : memref<!tpu.dma_semaphore, #tpu.memory_space<semaphore_mem>>) src(%dma_wait3A_134 : memref<512x32xf32, #tpu.memory_space<hbm>>) dst(%dma_wait3A_129 : memref<128x32xf32, #tpu.memory_space<vmem>>)
    %dma_wait3A_135 = arith.constant 640 : i32
    %dma_wait3A_136 = arith.constant 0 : i32
    %dma_wait3A_137 = tpu.memref_slice %arg6[%dma_wait3A_135, %dma_wait3A_136] : memref<1024x32xf32, #tpu.memory_space<vmem>> -> memref<128x32xf32, #tpu.memory_space<vmem>>
    %dma_wait3A_138 = arith.constant 640 : i32
    %dma_wait3A_139 = tpu.memref_slice %arg5[%dma_wait3A_138] : memref<1024xi32, #tpu.memory_space<vmem>> -> memref<128xi32, #tpu.memory_space<vmem>>
    %dma_wait3A_140 = arith.constant 0 : i32
    %dma_wait3A_141 = arith.constant 0 : i32
    %dma_wait3A_142 = tpu.memref_slice %arg2[%dma_wait3A_140, %dma_wait3A_141] : memref<512x32xf32, #tpu.memory_space<hbm>> -> memref<512x32xf32, #tpu.memory_space<hbm>>
    tpu.wait_indirect_dma semaphore(%arg7 : memref<!tpu.dma_semaphore, #tpu.memory_space<semaphore_mem>>) src(%dma_wait3A_142 : memref<512x32xf32, #tpu.memory_space<hbm>>) dst(%dma_wait3A_137 : memref<128x32xf32, #tpu.memory_space<vmem>>)
    %dma_wait3A_143 = arith.constant 768 : i32
    %dma_wait3A_144 = arith.constant 0 : i32
    %dma_wait3A_145 = tpu.memref_slice %arg6[%dma_wait3A_143, %dma_wait3A_144] : memref<1024x32xf32, #tpu.memory_space<vmem>> -> memref<128x32xf32, #tpu.memory_space<vmem>>
    %dma_wait3A_146 = arith.constant 768 : i32
    %dma_wait3A_147 = tpu.memref_slice %arg5[%dma_wait3A_146] : memref<1024xi32, #tpu.memory_space<vmem>> -> memref<128xi32, #tpu.memory_space<vmem>>
    %dma_wait3A_148 = arith.constant 0 : i32
    %dma_wait3A_149 = arith.constant 0 : i32
    %dma_wait3A_150 = tpu.memref_slice %arg2[%dma_wait3A_148, %dma_wait3A_149] : memref<512x32xf32, #tpu.memory_space<hbm>> -> memref<512x32xf32, #tpu.memory_space<hbm>>
    tpu.wait_indirect_dma semaphore(%arg7 : memref<!tpu.dma_semaphore, #tpu.memory_space<semaphore_mem>>) src(%dma_wait3A_150 : memref<512x32xf32, #tpu.memory_space<hbm>>) dst(%dma_wait3A_145 : memref<128x32xf32, #tpu.memory_space<vmem>>)
    %dma_wait3A_151 = arith.constant 896 : i32
    %dma_wait3A_152 = arith.constant 0 : i32
    %dma_wait3A_153 = tpu.memref_slice %arg6[%dma_wait3A_151, %dma_wait3A_152] : memref<1024x32xf32, #tpu.memory_space<vmem>> -> memref<128x32xf32, #tpu.memory_space<vmem>>
    %dma_wait3A_154 = arith.constant 896 : i32
    %dma_wait3A_155 = tpu.memref_slice %arg5[%dma_wait3A_154] : memref<1024xi32, #tpu.memory_space<vmem>> -> memref<128xi32, #tpu.memory_space<vmem>>
    %dma_wait3A_156 = arith.constant 0 : i32
    %dma_wait3A_157 = arith.constant 0 : i32
    %dma_wait3A_158 = tpu.memref_slice %arg2[%dma_wait3A_156, %dma_wait3A_157] : memref<512x32xf32, #tpu.memory_space<hbm>> -> memref<512x32xf32, #tpu.memory_space<hbm>>
    tpu.wait_indirect_dma semaphore(%arg7 : memref<!tpu.dma_semaphore, #tpu.memory_space<semaphore_mem>>) src(%dma_wait3A_158 : memref<512x32xf32, #tpu.memory_space<hbm>>) dst(%dma_wait3A_153 : memref<128x32xf32, #tpu.memory_space<vmem>>)
    "tpu.region"() ({
      %run_scoped3A_159 = tpu.sem_alloc : memref<!tpu.dma_semaphore, #tpu.memory_space<semaphore_mem>>
      %dma_start3A_160 = arith.constant 0 : i32
      %dma_start3A_161 = tpu.memref_slice %arg4[%select_n3A, %mul3A_32, %dma_start3A_160] : memref<8x4096x32xf32, #tpu.memory_space<hbm>> -> memref<1x1024x32xf32, #tpu.memory_space<hbm>>
      %dma_start3A_162 = tpu.memref_squeeze %dma_start3A_161 : memref<1x1024x32xf32, #tpu.memory_space<hbm>> -> memref<1024x32xf32, #tpu.memory_space<hbm>>
      %dma_start3A_163 = arith.constant 0 : i32
      %dma_start3A_164 = tpu.memref_slice %arg4[%select_n3A, %mul3A_32, %dma_start3A_163] : memref<8x4096x32xf32, #tpu.memory_space<hbm>> -> memref<1x1024x32xf32, #tpu.memory_space<hbm>>
      %dma_start3A_165 = tpu.memref_squeeze %dma_start3A_164 : memref<1x1024x32xf32, #tpu.memory_space<hbm>> -> memref<1024x32xf32, #tpu.memory_space<hbm>>
      tpu.enqueue_dma source(%arg6 : memref<1024x32xf32, #tpu.memory_space<vmem>>) target(%dma_start3A_165 : memref<1024x32xf32, #tpu.memory_space<hbm>>) target_semaphore(%run_scoped3A_159 : memref<!tpu.dma_semaphore, #tpu.memory_space<semaphore_mem>>)
      %dma_wait3A_166 = arith.constant 0 : i32
      %dma_wait3A_167 = tpu.memref_slice %arg4[%select_n3A, %mul3A_32, %dma_wait3A_166] : memref<8x4096x32xf32, #tpu.memory_space<hbm>> -> memref<1x1024x32xf32, #tpu.memory_space<hbm>>
      %dma_wait3A_168 = tpu.memref_squeeze %dma_wait3A_167 : memref<1x1024x32xf32, #tpu.memory_space<hbm>> -> memref<1024x32xf32, #tpu.memory_space<hbm>>
      %dma_wait3A_169 = arith.constant 0 : i32
      %dma_wait3A_170 = tpu.memref_slice %arg4[%select_n3A, %mul3A_32, %dma_wait3A_169] : memref<8x4096x32xf32, #tpu.memory_space<hbm>> -> memref<1x1024x32xf32, #tpu.memory_space<hbm>>
      %dma_wait3A_171 = tpu.memref_squeeze %dma_wait3A_170 : memref<1x1024x32xf32, #tpu.memory_space<hbm>> -> memref<1024x32xf32, #tpu.memory_space<hbm>>
      tpu.wait_dma2 semaphore(%run_scoped3A_159 : memref<!tpu.dma_semaphore, #tpu.memory_space<semaphore_mem>>) src(%arg6 : memref<1024x32xf32, #tpu.memory_space<vmem>>) dst(%dma_wait3A_171 : memref<1024x32xf32, #tpu.memory_space<hbm>>)
      tpu.yield
    }) : () -> ()
    return
  }
}

module attributes {stable_mosaic.version = 14 : i64} {
  func.func @_vq_tc_body(%arg0: i32, %arg1: memref<1x32x64x64xf32, #tpu.memory_space<vmem>>, %arg2: memref<512x32xf32, #tpu.memory_space<vmem>>, %arg3: memref<1x1x4096xi32, #tpu.memory_space<vmem>>, %arg4: memref<1x1x128xf32, #tpu.memory_space<vmem>>) attributes {dimension_semantics = [#tpu.dimension_semantics<arbitrary>], iteration_bounds = array<i64: 8>, scalar_prefetch = 0 : i64, scratch_operands = 0 : i64, tpu.core_type = #tpu.core_type<tc>, window_params = [{transform_indices = @transform_0, window_bounds = array<i64: 1, 32, 64, 64>}, {pipeline_mode = #tpu.pipeline_mode<synchronous>, transform_indices = @transform_1, window_bounds = array<i64: 512, 32>}, {transform_indices = @transform_2, window_bounds = array<i64: 1, 1, 4096>}, {transform_indices = @transform_3, window_bounds = array<i64: 1, 1, 128>}]} {
    %get3A = arith.constant 0 : index
    %get3A_0 = arith.constant 0 : index
    %get3A_1 = arith.constant 0 : index
    %get3A_2 = arith.constant 0 : index
    %get3A_3 = vector.load %arg1[%get3A, %get3A_0, %get3A_1, %get3A_2] : memref<1x32x64x64xf32, #tpu.memory_space<vmem>>, vector<1x32x64x64xf32>
    %get3A_4 = vector.shape_cast %get3A_3 : vector<1x32x64x64xf32> to vector<32x64x64xf32>
    %reshape3A = vector.shape_cast %get3A_4 : vector<32x64x64xf32> to vector<32x4096xf32>
    %get3A_5 = arith.constant 0 : index
    %get3A_6 = arith.constant 0 : index
    %get3A_7 = vector.load %arg2[%get3A_5, %get3A_6] : memref<512x32xf32, #tpu.memory_space<vmem>>, vector<512x32xf32>
    %add3A = arith.addf %get3A_7, %get3A_7 : vector<512x32xf32>
    %neg3A = arith.constant 0.000000e+00 : f32
    %neg3A_8 = vector.broadcast %neg3A : f32 to vector<512x32xf32>
    %neg3A_9 = arith.subf %neg3A_8, %add3A : vector<512x32xf32>
    %dot_general3A = arith.constant dense<0.000000e+00> : vector<512x4096xf32>
    %dot_general3A_10 = tpu.matmul %neg3A_9, %reshape3A, %dot_general3A {dimension_numbers = #tpu.dot_dimension_numbers<[1], [0], [0], [1], [0, 0, 1, 1], [], []>, transpose_lhs_hint = false} : vector<512x32xf32>, vector<32x4096xf32>, vector<512x4096xf32> -> vector<512x4096xf32>
    %mul3A = arith.mulf %get3A_7, %get3A_7 : vector<512x32xf32>
    %reduce_sum3A = arith.constant dense<0.000000e+00> : vector<512xf32>
    %reduce_sum3A_11 = vector.multi_reduction <add>, %mul3A, %reduce_sum3A [1] : vector<512x32xf32> to vector<512xf32>
    %broadcast_in_dim3A = vector.shape_cast %reduce_sum3A_11 : vector<512xf32> to vector<512x1xf32>
    %mul3A_12 = arith.mulf %reshape3A, %reshape3A : vector<32x4096xf32>
    %slice3A = vector.extract_strided_slice %mul3A_12 {offsets = [0, 0], sizes = [16, 4096], strides = [1, 1]} : vector<32x4096xf32> to vector<16x4096xf32>
    %slice3A_13 = vector.extract_strided_slice %mul3A_12 {offsets = [16, 0], sizes = [16, 4096], strides = [1, 1]} : vector<32x4096xf32> to vector<16x4096xf32>
    %add3A_14 = arith.addf %slice3A, %slice3A_13 : vector<16x4096xf32>
    %slice3A_15 = vector.extract_strided_slice %add3A_14 {offsets = [0, 0], sizes = [8, 4096], strides = [1, 1]} : vector<16x4096xf32> to vector<8x4096xf32>
    %slice3A_16 = vector.extract_strided_slice %add3A_14 {offsets = [8, 0], sizes = [8, 4096], strides = [1, 1]} : vector<16x4096xf32> to vector<8x4096xf32>
    %add3A_17 = arith.addf %slice3A_15, %slice3A_16 : vector<8x4096xf32>
    %slice3A_18 = vector.extract_strided_slice %add3A_17 {offsets = [0, 0], sizes = [4, 4096], strides = [1, 1]} : vector<8x4096xf32> to vector<4x4096xf32>
    %slice3A_19 = vector.extract_strided_slice %add3A_17 {offsets = [4, 0], sizes = [4, 4096], strides = [1, 1]} : vector<8x4096xf32> to vector<4x4096xf32>
    %add3A_20 = arith.addf %slice3A_18, %slice3A_19 : vector<4x4096xf32>
    %slice3A_21 = vector.extract_strided_slice %add3A_20 {offsets = [0, 0], sizes = [2, 4096], strides = [1, 1]} : vector<4x4096xf32> to vector<2x4096xf32>
    %slice3A_22 = vector.extract_strided_slice %add3A_20 {offsets = [2, 0], sizes = [2, 4096], strides = [1, 1]} : vector<4x4096xf32> to vector<2x4096xf32>
    %add3A_23 = arith.addf %slice3A_21, %slice3A_22 : vector<2x4096xf32>
    %slice3A_24 = vector.extract_strided_slice %add3A_23 {offsets = [0, 0], sizes = [1, 4096], strides = [1, 1]} : vector<2x4096xf32> to vector<1x4096xf32>
    %slice3A_25 = vector.extract_strided_slice %add3A_23 {offsets = [1, 0], sizes = [1, 4096], strides = [1, 1]} : vector<2x4096xf32> to vector<1x4096xf32>
    %add3A_26 = arith.addf %slice3A_24, %slice3A_25 : vector<1x4096xf32>
    %add3A_27 = vector.broadcast %add3A_26 : vector<1x4096xf32> to vector<512x4096xf32>
    %add3A_28 = arith.addf %add3A_27, %dot_general3A_10 : vector<512x4096xf32>
    %add3A_29 = vector.broadcast %broadcast_in_dim3A : vector<512x1xf32> to vector<512x4096xf32>
    %add3A_30 = arith.addf %add3A_28, %add3A_29 : vector<512x4096xf32>
    %reduce_min3A = arith.constant dense<0x7F800000> : vector<4096xf32>
    %reduce_min3A_31 = vector.multi_reduction <minimumf>, %add3A_30, %reduce_min3A [0] : vector<512x4096xf32> to vector<4096xf32>
    %broadcast_in_dim3A_32 = vector.shape_cast %reduce_min3A_31 : vector<4096xf32> to vector<1x4096xf32>
    %iota3A = tpu.iota {dimensions = array<i32: 0>} : vector<512x1xi32>
    %convert_element_type3A = arith.sitofp %iota3A : vector<512x1xi32> to vector<512x1xf32>
    %eq3A = vector.broadcast %broadcast_in_dim3A_32 : vector<1x4096xf32> to vector<512x4096xf32>
    %eq3A_33 = arith.cmpf oeq, %add3A_30, %eq3A : vector<512x4096xf32>
    %jit3A = arith.constant 5.120000e+02 : f32
    %broadcast_in_dim3A_34 = vector.shape_cast %convert_element_type3A : vector<512x1xf32> to vector<512x1xf32>
    %broadcast_in_dim3A_35 = vector.broadcast %broadcast_in_dim3A_34 : vector<512x1xf32> to vector<512x4096xf32>
    %broadcast_in_dim3A_36 = vector.broadcast %jit3A : f32 to vector<512x4096xf32>
    %select_n3A = arith.select %eq3A_33, %broadcast_in_dim3A_35, %broadcast_in_dim3A_36 : vector<512x4096xi1>, vector<512x4096xf32>
    %reduce_min3A_37 = arith.constant dense<0x7F800000> : vector<4096xf32>
    %reduce_min3A_38 = vector.multi_reduction <minimumf>, %select_n3A, %reduce_min3A_37 [0] : vector<512x4096xf32> to vector<4096xf32>
    %convert_element_type3A_39 = arith.fptosi %reduce_min3A_38 : vector<4096xf32> to vector<4096xi32>
    %swap3A = arith.constant 0 : index
    %swap3A_40 = arith.constant 0 : index
    %swap3A_41 = arith.constant 0 : index
    %swap3A_42 = vector.load %arg3[%swap3A, %swap3A_40, %swap3A_41] : memref<1x1x4096xi32, #tpu.memory_space<vmem>>, vector<1x1x4096xi32>
    %swap3A_43 = vector.shape_cast %swap3A_42 : vector<1x1x4096xi32> to vector<4096xi32>
    %swap3A_44 = vector.shape_cast %convert_element_type3A_39 : vector<4096xi32> to vector<1x1x4096xi32>
    tpu.vector_store %arg3[%swap3A, %swap3A_40, %swap3A_41], %swap3A_44 {strides = array<i32>} : memref<1x1x4096xi32, #tpu.memory_space<vmem>>, vector<1x1x4096xi32>,
    %reduce_sum3A_45 = vector.shape_cast %broadcast_in_dim3A_32 : vector<1x4096xf32> to vector<1x1x4096xf32>
    %reduce_sum3A_46 = arith.constant dense<0.000000e+00> : vector<1xf32>
    %reduce_sum3A_47 = vector.multi_reduction <add>, %reduce_sum3A_45, %reduce_sum3A_46 [1, 2] : vector<1x1x4096xf32> to vector<1xf32>
    %reduce_sum3A_48 = vector.shape_cast %reduce_sum3A_47 : vector<1xf32> to vector<1x1x1xf32>
    %reduce_sum3A_49 = vector.extract %reduce_sum3A_48[0, 0, 0] : f32 from vector<1x1x1xf32>
    %broadcast_in_dim3A_50 = vector.broadcast %reduce_sum3A_49 : f32 to vector<128xf32>
    %swap3A_51 = arith.constant 0 : index
    %swap3A_52 = arith.constant 0 : index
    %swap3A_53 = arith.constant 0 : index
    %swap3A_54 = vector.load %arg4[%swap3A_51, %swap3A_52, %swap3A_53] : memref<1x1x128xf32, #tpu.memory_space<vmem>>, vector<1x1x128xf32>
    %swap3A_55 = vector.shape_cast %swap3A_54 : vector<1x1x128xf32> to vector<128xf32>
    %swap3A_56 = vector.shape_cast %broadcast_in_dim3A_50 : vector<128xf32> to vector<1x1x128xf32>
    tpu.vector_store %arg4[%swap3A_51, %swap3A_52, %swap3A_53], %swap3A_56 {strides = array<i32>} : memref<1x1x128xf32, #tpu.memory_space<vmem>>, vector<1x1x128xf32>,
    return
  }
  func.func @transform_0(%arg0: i32) -> (i32, i32, i32, i32) {
    %c0_i32 = arith.constant 0 : i32
    %c0_i32_0 = arith.constant 0 : i32
    %c0_i32_1 = arith.constant 0 : i32
    %c0_i32_2 = arith.constant 0 : i32
    return %arg0, %c0_i32, %c0_i32_0, %c0_i32_1 : i32, i32, i32, i32
  }
  func.func @transform_1(%arg0: i32) -> (i32, i32) {
    %c0_i32 = arith.constant 0 : i32
    %c0_i32_0 = arith.constant 0 : i32
    %c0_i32_1 = arith.constant 0 : i32
    return %c0_i32, %c0_i32_0 : i32, i32
  }
  func.func @transform_2(%arg0: i32) -> (i32, i32, i32) {
    %c0_i32 = arith.constant 0 : i32
    %c0_i32_0 = arith.constant 0 : i32
    %c0_i32_1 = arith.constant 0 : i32
    return %arg0, %c0_i32, %c0_i32_0 : i32, i32, i32
  }
  func.func @transform_3(%arg0: i32) -> (i32, i32, i32) {
    %c0_i32 = arith.constant 0 : i32
    %c0_i32_0 = arith.constant 0 : i32
    %c0_i32_1 = arith.constant 0 : i32
    return %arg0, %c0_i32, %c0_i32_0 : i32, i32, i32
  }
}

module attributes {stable_mosaic.version = 14 : i64} {
  func.func @_fin_body(%arg0: i32, %arg1: memref<1x1024x128xf32, #tpu.memory_space<vmem>>, %arg2: memref<1x32x64x64xf32, #tpu.memory_space<vmem>>) attributes {dimension_semantics = [#tpu.dimension_semantics<arbitrary>], iteration_bounds = array<i64: 8>, scalar_prefetch = 0 : i64, scratch_operands = 0 : i64, tpu.core_type = #tpu.core_type<tc>, window_params = [{transform_indices = @transform_0, window_bounds = array<i64: 1, 1024, 128>}, {transform_indices = @transform_1, window_bounds = array<i64: 1, 32, 64, 64>}]} {
    %get3A = arith.constant 0 : index
    %get3A_0 = arith.constant 0 : index
    %get3A_1 = arith.constant 0 : index
    %get3A_2 = vector.load %arg1[%get3A, %get3A_0, %get3A_1] : memref<1x1024x128xf32, #tpu.memory_space<vmem>>, vector<1x1024x128xf32>
    %get3A_3 = vector.shape_cast %get3A_2 : vector<1x1024x128xf32> to vector<1024x128xf32>
    %slice3A = vector.extract_strided_slice %get3A_3 {offsets = [0, 0], sizes = [1024, 32], strides = [1, 1]} : vector<1024x128xf32> to vector<1024x32xf32>
    %transpose3A = tpu.transpose %slice3A, [1, 0] : vector<1024x32xf32> -> vector<32x1024xf32>
    %slice3A_4 = vector.extract_strided_slice %get3A_3 {offsets = [0, 32], sizes = [1024, 32], strides = [1, 1]} : vector<1024x128xf32> to vector<1024x32xf32>
    %transpose3A_5 = tpu.transpose %slice3A_4, [1, 0] : vector<1024x32xf32> -> vector<32x1024xf32>
    %slice3A_6 = vector.extract_strided_slice %get3A_3 {offsets = [0, 64], sizes = [1024, 32], strides = [1, 1]} : vector<1024x128xf32> to vector<1024x32xf32>
    %transpose3A_7 = tpu.transpose %slice3A_6, [1, 0] : vector<1024x32xf32> -> vector<32x1024xf32>
    %slice3A_8 = vector.extract_strided_slice %get3A_3 {offsets = [0, 96], sizes = [1024, 32], strides = [1, 1]} : vector<1024x128xf32> to vector<1024x32xf32>
    %transpose3A_9 = tpu.transpose %slice3A_8, [1, 0] : vector<1024x32xf32> -> vector<32x1024xf32>
    %concatenate3A = tpu.concatenate %transpose3A, %transpose3A_5, %transpose3A_7, %transpose3A_9 in 1 : vector<32x1024xf32>, vector<32x1024xf32>, vector<32x1024xf32>, vector<32x1024xf32> -> vector<32x4096xf32>
    %reshape3A = vector.shape_cast %concatenate3A : vector<32x4096xf32> to vector<32x64x64xf32>
    %swap3A = arith.constant 0 : index
    %swap3A_10 = arith.constant 0 : index
    %swap3A_11 = arith.constant 0 : index
    %swap3A_12 = arith.constant 0 : index
    %swap3A_13 = vector.load %arg2[%swap3A, %swap3A_10, %swap3A_11, %swap3A_12] : memref<1x32x64x64xf32, #tpu.memory_space<vmem>>, vector<1x32x64x64xf32>
    %swap3A_14 = vector.shape_cast %swap3A_13 : vector<1x32x64x64xf32> to vector<32x64x64xf32>
    %swap3A_15 = vector.shape_cast %reshape3A : vector<32x64x64xf32> to vector<1x32x64x64xf32>
    tpu.vector_store %arg2[%swap3A, %swap3A_10, %swap3A_11, %swap3A_12], %swap3A_15 {strides = array<i32>} : memref<1x32x64x64xf32, #tpu.memory_space<vmem>>, vector<1x32x64x64xf32>,
    return
  }
  func.func @transform_0(%arg0: i32) -> (i32, i32, i32) {
    %c0_i32 = arith.constant 0 : i32
    %c0_i32_0 = arith.constant 0 : i32
    %c0_i32_1 = arith.constant 0 : i32
    return %arg0, %c0_i32, %c0_i32_0 : i32, i32, i32
  }
  func.func @transform_1(%arg0: i32) -> (i32, i32, i32, i32) {
    %c0_i32 = arith.constant 0 : i32
    %c0_i32_0 = arith.constant 0 : i32
    %c0_i32_1 = arith.constant 0 : i32
    %c0_i32_2 = arith.constant 0 : i32
    return %arg0, %c0_i32, %c0_i32_0, %c0_i32_1 : i32, i32, i32, i32
  }
}

</mosaic_0001>

<sc_bundles>
// kernel: kernel.5.cloned.1.call-start
scs
__scs_entry_jumppad:
0x0: {  	(pc) =	sbr.rel $0x88, $3  }
0x1: {  	(tag) =	ssettag $0x0;
	lr =	simm.s32 $0x1  }
0x2: {  	[smem:$0x3F9F] =	sst lr;
	_ =	strace $0xD0000000  }
0x3: {  	_ = 	snop  }
0x4: {  	_ = 	snop  }
0x5: {  	_ = 	snop  }
0x6: {  	_ = 	snop  }
0x7: {  	_ = 	snop  }
__scs_overlays_trampoline_lowered:
0x8: {  	[smem:$0x3FAE] =	sst s0  }
0x9: {  	[smem:$0x3FAF] =	sst s1  }
0xa: {  	[smem:$0x3FB0] =	sst s2  }
0xb: {  	[smem:$0x3FB1] =	sst s3  }
0xc: {  	[smem:$0x3FB2] =	sst s4  }
0xd: {  	[smem:$0x3FB3] =	sst s5  }
0xe: {  	[smem:$0x3FB4] =	sst s6  }
0xf: {  	[smem:$0x3FB5] =	sst s7  }
0x10: {  	[smem:$0x3FB6] =	sst s8  }
0x11: {  	[smem:$0x3FB7] =	sst s9;
	s0 =	simm.s32 @!p0 $0x0  }
0x12: {  	s1 =	sld [smem:$0x3F9D];
	s0 =	simm.s32 @p0 $0x1  }
0x13: {  	[smem:$0x3FB8] =	sst s0;
	s0 =	simm.s32 @!p1 $0x0  }
0x14: {  	s2 =	sld [smem:$0x3F9C];
	s0 =	simm.s32 @p1 $0x1  }
0x15: {  	[smem:$0x3FB9] =	sst s0;
	s0 =	simm.s32 @!p2 $0x0  }
0x16: {  	s3 =	sld [smem:$0x3FDB];
	s0 =	simm.s32 @p2 $0x1  }
0x17: {  	s4 =	simm.s32 $0x1BF5;
	[smem:$0x3FBB] =	sst s0  }
0x18: {  	s0 =	sld [smem:$0x3F9E];
	_ =	swait.ge [sflag:s4], $0x0  }
0x19: {  	s7 =	sld [smem:$0x3F9F]  }
0x1a: {  	s8 =	sadd.s32 $0xFFFFE003, lr  }
0x1b: {  	s9 =	sadd.s32 $0xFFFFFEF7, lr;
	s5 =	simm.s32 $0xFFFFFFFF;
	p2 =	slt.u32 s8, $0xFFFFF086  }
0x1c: {  	p1 =	slt.u32 s9, $0xF7A;
	s5 =	simm.s32 @!p2 $0x0  }
0x1d: {  	s5 =	simm.s32 @p1 $0x1;
	p0 =	seq.s32 s7, s2  }
0x1e: {  	s7 =	smul.u32 @!p0 $0xF7A, s2;
	p2 =	seq.s32 @!p0 s5, $0x0  }
0x1f: {  	s9 =	smul.u32 $0xF7A, s1;
	s8 =	simm.s32 @!p0 $0x1BF5;
	p2 =	por !p2, p0  }
0x20: {  	[sflag:s8] =	ssyncset.s32 @!p0 $0xFFFFF086;
	s6 =	sadd.s32 @!p0 s3, s7;
	s7 =	simm.s32 @!p0 $0x108  }
0x21: {  	s3 =	sadd.s32 s3, s9;
	s6 =	sadd.s32 @!p0 $0x88, s6;
	s7 =	simm.s32 @p2 $0x1082  }
0x22: {  	[simem:s7], [sflag:s8] =	dma.local @!p0 [hbm:s6], $0xF7A  }
0x23: {  	s9 =	sor.u32 $0xD0000000, s2;
	s6 =	simm.s32 $0x108;
	_ =	swait.ge @!p0 [sflag:s8], $0x0  }
0x24: {  	s3 =	sadd.s32 $0x88, s3;
	s6 =	simm.s32 @!p1 $0x1082;
	[sflag:s4] =	ssyncset.s32 $0xFFFFF086  }
0x25: {  	[simem:s6], [sflag:s4] =	dma.local [hbm:s3], $0xF7A  }
0x26: {  	[smem:$0x3F9F] =	sst s1;
	(tag) =	ssettag s2;
	_ =	strace s9  }
0x27: {  	s1 =	sld [smem:$0x3FAF]  }
0x28: {  	s2 =	sld [smem:$0x3FB0]  }
0x29: {  	s4 =	sld [smem:$0x3FB2]  }
0x2a: {  	p0 =	seq.s32 s5, $0x0;
	s5 =	sld [smem:$0x3FB3]  }
0x2b: {  	s6 =	sld [smem:$0x3FB4]  }
0x2c: {  	s7 =	sld [smem:$0x3FB5]  }
0x2d: {  	s3 =	simm.s32 $0x108;
	s8 =	sld [smem:$0x3FB6]  }
0x2e: {  	s3 =	simm.s32 @!p0 $0x1082;
	s9 =	sld [smem:$0x3FB7]  }
0x2f: {  	lr =	sadd.s32 s0, s3;
	s0 =	sld [smem:$0x3FAE]  }
0x30: {  	s3 =	sld [smem:$0x3FB1]  }
0x31: {  	[smem:$0x3FBA] =	sst s10  }
0x32: {  	s10 =	sld [smem:$0x3FB8];
	_ =	sdelay $0x3  }
0x33: {  	p0 =	seq.s32 s10, $0x1;
	s10 =	sld [smem:$0x3FBA];
	_ =	sdelay $0x3  }
0x34: {  	[smem:$0x3FBA] =	sst s10  }
0x35: {  	s10 =	sld [smem:$0x3FB9];
	_ =	sdelay $0x3  }
0x36: {  	p1 =	seq.s32 s10, $0x1;
	s10 =	sld [smem:$0x3FBA];
	_ =	sdelay $0x3  }
0x37: {  	[smem:$0x3FBA] =	sst s10  }
0x38: {  	s10 =	sld [smem:$0x3FBB]  }
0x39: {  	_ = 	snop;
	(pc) =	sbr.ind lr, $3  }
0x3a: {  	_ = 	snop  }
0x3b: {  	_ = 	snop  }
0x3c: {  	p2 =	seq.s32 s10, $0x1;
	s10 =	sld [smem:$0x3FBA]  }
0x3d: {  	_ =	shalt  }
0x3e: {  	_ =	shalt  }
0x3f: {  	_ =	shalt  }
0x40: {  	_ =	shalt  }
0x41: {  	_ =	shalt  }
0x42: {  	_ =	shalt  }
0x43: {  	_ =	shalt  }
0x44: {  	_ =	shalt  }
0x45: {  	_ =	shalt  }
0x46: {  	_ =	shalt  }
0x47: {  	_ =	shalt  }
0x48: {  	_ =	shalt  }
0x49: {  	_ =	shalt  }
0x4a: {  	_ =	shalt  }
0x4b: {  	_ =	shalt  }
0x4c: {  	_ =	shalt  }
0x4d: {  	_ =	shalt  }
0x4e: {  	_ =	shalt  }
0x4f: {  	_ =	shalt  }
0x50: {  	_ =	shalt  }
0x51: {  	_ =	shalt  }
0x52: {  	_ =	shalt  }
0x53: {  	_ =	shalt  }
0x54: {  	_ =	shalt  }
0x55: {  	_ =	shalt  }
0x56: {  	_ =	shalt  }
0x57: {  	_ =	shalt  }
0x58: {  	_ =	shalt  }
0x59: {  	_ =	shalt  }
0x5a: {  	_ =	shalt  }
0x5b: {  	_ =	shalt  }
0x5c: {  	_ =	shalt  }
0x5d: {  	_ =	shalt  }
0x5e: {  	_ =	shalt  }
0x5f: {  	_ =	shalt  }
0x60: {  	_ =	shalt  }
0x61: {  	_ =	shalt  }
0x62: {  	_ =	shalt  }
0x63: {  	_ =	shalt  }
0x64: {  	_ =	shalt  }
0x65: {  	_ =	shalt  }
0x66: {  	_ =	shalt  }
0x67: {  	_ =	shalt  }
0x68: {  	_ =	shalt  }
0x69: {  	_ =	shalt  }
0x6a: {  	_ =	shalt  }
0x6b: {  	_ =	shalt  }
0x6c: {  	_ =	shalt  }
0x6d: {  	_ =	shalt  }
0x6e: {  	_ =	shalt  }
0x6f: {  	_ =	shalt  }
0x70: {  	_ =	shalt  }
0x71: {  	_ =	shalt  }
0x72: {  	_ =	shalt  }
0x73: {  	_ =	shalt  }
0x74: {  	_ =	shalt  }
0x75: {  	_ =	shalt  }
0x76: {  	_ =	shalt  }
0x77: {  	_ =	shalt  }
0x78: {  	_ =	shalt  }
0x79: {  	_ =	shalt  }
0x7a: {  	_ =	shalt  }
0x7b: {  	_ =	shalt  }
0x7c: {  	_ =	shalt  }
0x7d: {  	_ =	shalt  }
0x7e: {  	_ =	shalt  }
0x7f: {  	_ =	shalt  }
0x80: {  	_ =	shalt  }
0x81: {  	_ =	shalt  }
0x82: {  	_ =	shalt  }
0x83: {  	_ =	shalt  }
0x84: {  	_ =	shalt  }
0x85: {  	_ =	shalt  }
0x86: {  	_ =	shalt  }
0x87: {  	_ =	shalt  }
.Lfunc_end0:
.L_simem_size_0:
called_computation_lowered:
.L_overlay_start_0:
0x88: {  	s2 =	sld [smem:$0x3FD9]  }
0x89: {  	s3 =	sld [smem:$0x3FFE];
	_ =	sdelay $0x1  }
0x8a: {  	s1 =	srdreg.scid  }
0x8b: {  	s0 =	sand.u32 $0x1, s1  }
0x8c: {  	s14 =	sshll.u32 s0, $0xA;
	s2 =	sadd.s32 s3, s2  }
0x8d: {  	s2 =	sadd.s32 s2, s14  }
0x8e: {  	[smem:$0x3FC6] =	sst s2  }
0x8f: {  	_ = 	snop  }
0x90: {  	s2 =	sld [smem:$0x3FD0];
	_ =	sdelay $0x2  }
0x91: {  	s15 =	simm.s32 $0xA;
	s4 =	simm.s32 $0x10  }
0x92: {  	[smem:s4], [sflag:s15] =	dma.local [hbm:s2], $0x1  }
0x93: {  	_ =	swait.eq [sflag:s15], $0x1  }
0x94: {  	[sflag:s15] =	ssyncset.done $0x0  }
0x95: {  	[sflag:s15] =	ssyncadd.s32 $0xFFFFFFFF  }
0x96: {  	s16 =	sld [smem:$0x10];
	(tm) =	ssettm $0x1  }
0x97: {  	s17 =	sld [smem:$0x3FFB];
	_ =	sdelay $0x3  }
0x98: {  	_ =	strace s17  }
0x99: {  	s3 =	sld [smem:$0x3FFC];
	_ =	sdelay $0x3  }
0x9a: {  	_ =	strace s3  }
0x9b: {  	s3 =	sld [smem:$0x3FFD];
	_ =	sdelay $0x3  }
0x9c: {  	_ =	strace s3  }
0x9d: {  	_ =	strace $0x8FFFFFFF  }
0x9e: {  	s18 =	sld [smem:$0x3FDB];
	_ =	sdelay $0x1  }
0x9f: {  	s19 =	simm.s32 $_scs_section_size  }
0xa0: {  	s5 =	simm.s32 $_size__tile_overlayer_lowered;
	s6 =	simm.s32 $_tile_overlayer_lowered  }
0xa1: {  	s22 =	simm.s32 $0x1BFF;
	s21 =	sshll.u32 s6, $0x1;
	s3 =	sadd.s32 s19, s18  }
0xa2: {  	s7 =	simm.s32 $0x0;
	s20 =	sshll.u32 s5, $0x1;
	s5 =	sadd.s32 s21, s3  }
0xa3: {  	[timem:s7], [sflag:s22] =	dma.local [hbm:s5], s20  }
0xa4: {  	_ =	swait.ge [sflag:s22], s20  }
0xa5: {  	s4 =	ssub.s32 $0x0, s20;
	[sflag:s22] =	ssyncset.done $0x0  }
0xa6: {  	[sflag:s22] =	ssyncadd.s32 s4;
	_ =	sdelay $0x1  }
0xa7: {  	s23 =	simm.s32 $0x1B8B  }
0xa8: {  	_ =	swait.ge [sflag:s23], $0x1  }
0xa9: {  	[sflag:s23] =	ssyncset.done $0x0  }
0xaa: {  	s25 =	simm.s32 $0x1B8E;
	s24 =	sld [smem:$0x3FFE];
	[sflag:s23] =	ssyncadd.s32 $0xFFFFFFFF  }
0xab: {  	s26 =	simm.s32 $execute0_lowered;
	[smem:$0x3FD2] =	sst s25  }
0xac: {  	s5 =	sshll.u32 s26, $0x1;
	_ =	strace $0x80000046;
	[dreg:$0x1] =	wrdreg $0xFFFFFFFF  }
0xad: {  	s28 =	simm.s32 $_size_execute0_lowered;
	s3 =	sadd.s32 s3, s5;
	[dreg:$0x0] =	wrdreg $0x0  }
0xae: {  	s5 =	sshll.u32 s28, $0x1;
	[dreg:$0x2] =	wrdreg s3  }
0xaf: {  	[dreg:$0x3] =	wrdreg s5  }
0xb0: {  	[dreg:$0x4] =	wrdreg $0xC0  }
0xb1: {  	_ =	task [dreg:s7], $0x5FFFF  }
0xb2: {  	[dreg:$0x1] =	wrdreg $0xFFFFFFFF  }
0xb3: {  	[dreg:$0x0] =	wrdreg $0x60  }
0xb4: {  	[dreg:$0x2] =	wrdreg s24  }
0xb5: {  	[dreg:$0x3] =	wrdreg s16  }
0xb6: {  	[dreg:$0x4] =	wrdreg $0x9  }
0xb7: {  	_ =	task.clear_ibuf [dreg:s7], $0x5FFFF;
	_ =	strace $0x90000046  }
0xb8: {  	s29 =	simm.s32 $0x9;
	_ =	strace $0x80000048  }
0xb9: {  	_ =	swait.ge [sflag:s29], $0x1  }
0xba: {  	[sflag:s29] =	ssyncadd.s32 $0xFFFFFFFF  }
0xbb: {  	_ =	strace $0x90000048  }
0xbc: {  	_ =	sfence  }
0xbd: {  	s30 =	sld [smem:$0x0];
	_ =	sdelay $0x2  }
0xbe: {  	s31 =	sshll.u32 s1, $0xD;
	s1 =	sshrl.u32 s1, $0x2  }
0xbf: {  	s3 =	sand.u32 $0x4000, s31;
	s1 =	sadd.s32 s1, s30  }
0xc0: {  	s0 =	sor.u32 s3, s0;
	s1 =	sshll.u32 s1, $0x11  }
0xc1: {  	s0 =	sor.u32 s1, s0  }
0xc2: {  	s0 =	sadd.s32 $0x8F2B, s0  }
0xc3: {  	[sflag:s0] =	ssyncadd.remote.s32 $0x1  }
0xc4: {  	_ =	sfence.sel $0xFFFF  }
0xc5: {  	[dreg:$0x0] =	wrdreg $0xFFFFFFFF;
	(pc) =	sbr.abs _section_cstart, $3  }
0xc6: {  	[dreg:$0x1] =	wrdreg $0xFFFFFFFF  }
0xc7: {  	_ =	task.clear_ibuf [dreg:s7], $0x2FFFF;
	_ =	strace $0x9FFFFFFF  }
0xc8: {  	(tm) =	ssettm $0x7FFFFFFF  }
0xc9: {  	_ =	shalt  }
tec
execute0_lowered:
.L_overlay_start_1:
0x0: {  	(tag) =	ssettag $0x1  }
0x1: {  	s1 =	rddreg [dreg:$0x0];
	s0 =	stileid.u32  }
0x2: {  	s22 =	rddreg [dreg:$0x1];
	s2 =	srdreg.scid;
	s3 =	sshll.u32 s0, $0x1  }
0x3: {  	s23 =	sshrl.u32 s0, $0x1;
	s25 =	sand.u32 $0x1, s2;
	s3 =	sand.u32 $0x2, s3  }
0x4: {  	s2 =	rddreg [dreg:$0x2];
	s4 =	sshll.u32 s23, $0x9;
	s24 =	sor.u32 s25, s3  }
0x5: {  	s3 =	simm.s32 $0x0;
	s4 =	sadd.s32 s4, s1;
	s5 =	sshll.u32 s24, $0x7  }
0x6: {  	[smem:$0x7FF] =	sst s3;
	s4 =	sadd.s32 s5, s4  }
0x7: {  	_ =	strace $0x80000047;
	s5 =	sadd.s32 $0x800, s4;
	s4 =	simm.s32 $0x2  }
0x8: {  	[tilespmem:s3], [sflag:$0x2] =	stream.linear.gather [hbm4b:s5+s3], $0x400, $0x38;
	[tilespmem:$0x8400] =	vst v63  }
0x9: {  	_ =	swait.ge [sflag:s4], $0x400  }
0xa: {  	[sflag:s4] =	ssyncset.done $0x0  }
0xb: {  	s6 =	simm.s32 $0x80;
	s7 =	simm.s32 $0x400;
	[sflag:s4] =	ssyncadd.s32 $0xFFFFFC00  }
0xc: {  	[tilespmem:s7], [sflag:$0x1] =	stream.indirect.gather [hbm4b:s1+s6], $0x20, s3, s6, $0xb8;
	[tilespmem:$0x8400] =	vst v63  }
0xd: {  	s8 =	simm.s32 $0x1400  }
0xe: {  	[tilespmem:s8], [sflag:$0x1] =	stream.indirect.gather [hbm4b:s1+s6], $0x20, s6, s6, $0xb8;
	[tilespmem:$0x8400] =	vst v63  }
0xf: {  	s9 =	simm.s32 $0x100;
	s10 =	simm.s32 $0x2400  }
0x10: {  	[tilespmem:s10], [sflag:$0x1] =	stream.indirect.gather [hbm4b:s1+s6], $0x20, s9, s6, $0xb8;
	[tilespmem:$0x8400] =	vst v63  }
0x11: {  	s11 =	simm.s32 $0x180;
	s12 =	simm.s32 $0x3400  }
0x12: {  	[tilespmem:s12], [sflag:$0x1] =	stream.indirect.gather [hbm4b:s1+s6], $0x20, s11, s6, $0xb8;
	[tilespmem:$0x8400] =	vst v63  }
0x13: {  	s13 =	simm.s32 $0x200;
	s14 =	simm.s32 $0x4400  }
0x14: {  	[tilespmem:s14], [sflag:$0x1] =	stream.indirect.gather [hbm4b:s1+s6], $0x20, s13, s6, $0xb8;
	[tilespmem:$0x8400] =	vst v63  }
0x15: {  	s15 =	simm.s32 $0x280;
	s16 =	simm.s32 $0x5400  }
0x16: {  	[tilespmem:s16], [sflag:$0x1] =	stream.indirect.gather [hbm4b:s1+s6], $0x20, s15, s6, $0xb8;
	[tilespmem:$0x8400] =	vst v63  }
0x17: {  	s17 =	simm.s32 $0x300;
	s18 =	simm.s32 $0x6400  }
0x18: {  	[tilespmem:s18], [sflag:$0x1] =	stream.indirect.gather [hbm4b:s1+s6], $0x20, s17, s6, $0xb8;
	[tilespmem:$0x8400] =	vst v63  }
0x19: {  	s19 =	simm.s32 $0x380;
	s20 =	simm.s32 $0x7400;
	s21 =	simm.s32 $0x1  }
0x1a: {  	[tilespmem:s20], [sflag:$0x1] =	stream.indirect.gather [hbm4b:s1+s6], $0x20, s19, s6, $0xb8;
	[tilespmem:$0x8400] =	vst v63  }
0x1b: {  	_ =	swait.ge [sflag:s21], $0x1000  }
0x1c: {  	[sflag:s21] =	ssyncset.done $0x0  }
0x1d: {  	[sflag:s21] =	ssyncadd.s32 $0xFFFFF000  }
0x1e: {  	_ =	swait.ge [sflag:s21], $0x1000  }
0x1f: {  	[sflag:s21] =	ssyncset.done $0x0  }
0x20: {  	[sflag:s21] =	ssyncadd.s32 $0xFFFFF000  }
0x21: {  	_ =	swait.ge [sflag:s21], $0x1000  }
0x22: {  	[sflag:s21] =	ssyncset.done $0x0  }
0x23: {  	[sflag:s21] =	ssyncadd.s32 $0xFFFFF000  }
0x24: {  	_ =	swait.ge [sflag:s21], $0x1000  }
0x25: {  	[sflag:s21] =	ssyncset.done $0x0  }
0x26: {  	[sflag:s21] =	ssyncadd.s32 $0xFFFFF000  }
0x27: {  	_ =	swait.ge [sflag:s21], $0x1000  }
0x28: {  	[sflag:s21] =	ssyncset.done $0x0  }
0x29: {  	[sflag:s21] =	ssyncadd.s32 $0xFFFFF000  }
0x2a: {  	_ =	swait.ge [sflag:s21], $0x1000  }
0x2b: {  	[sflag:s21] =	ssyncset.done $0x0  }
0x2c: {  	s25 =	ssub.s32 $0x2, s25;
	[sflag:s21] =	ssyncadd.s32 $0xFFFFF000  }
0x2d: {  	s26 =	sshrl.u32 s25, $0x1;
	_ =	swait.ge [sflag:s21], $0x1000  }
0x2e: {  	s25 =	ssub.s32 s25, s26;
	[sflag:s21] =	ssyncset.done $0x0  }
0x2f: {  	s23 =	sshll.u32 s23, $0xE;
	s31 =	smax.u32 s25, $0x1;
	[sflag:s21] =	ssyncadd.s32 $0xFFFFF000  }
0x30: {  	s22 =	sadd.s32 s22, s23;
	p0 =	sne.s32 s31, $0x1;
	_ =	swait.ge [sflag:s21], $0x1000  }
.Ltmp0:
0x31: {  	s30 =	sshll.u32 s24, $0xC;
	[sflag:s21] =	ssyncset.done $0x0;
	(pc) =	sbr.rel @!p0 .LBB2_2-.Ltmp0, $4  }
0x32: {  	s22 =	sadd.s32 s30, s22;
	[sflag:s21] =	ssyncadd.s32 $0xFFFFF000  }
0x33: {  	[hbm4b:s22+s3] =	stream.linear.scatter [tilespmem:s7], [sflag:$0x2], $0x8000, $0x38;
	[tilespmem:$0x8400] =	vst v63  }
0x34: {  	_ =	swait.ge [sflag:s4], $0x8000  }
0x35: {  	s23 =	sadd.s32 $0xFFFFFFFF, s31;
	[sflag:s4] =	ssyncset.done $0x0  }
.LBB2_1:
0x36: {  	p0 =	sne.s32 s23, $0x1;
	s23 =	sadd.s32 $0xFFFFFFFF, s23;
	[sflag:s4] =	ssyncadd.s32 $0xFFFF8000  }
0x37: {  	[tilespmem:s3], [sflag:$0x2] =	stream.linear.gather [hbm4b:s5+s3], $0x400, $0x38;
	[tilespmem:$0x8400] =	vst v63  }
0x38: {  	_ =	swait.ge [sflag:s4], $0x400  }
0x39: {  	[sflag:s4] =	ssyncset.done $0x0  }
0x3a: {  	[sflag:s4] =	ssyncadd.s32 $0xFFFFFC00  }
0x3b: {  	[tilespmem:s7], [sflag:$0x1] =	stream.indirect.gather [hbm4b:s1+s6], $0x20, s3, s6, $0xb8;
	[tilespmem:$0x8400] =	vst v63  }
0x3c: {  	_ = 	snop  }
0x3d: {  	[tilespmem:s8], [sflag:$0x1] =	stream.indirect.gather [hbm4b:s1+s6], $0x20, s6, s6, $0xb8;
	[tilespmem:$0x8400] =	vst v63  }
0x3e: {  	_ = 	snop  }
0x3f: {  	[tilespmem:s10], [sflag:$0x1] =	stream.indirect.gather [hbm4b:s1+s6], $0x20, s9, s6, $0xb8;
	[tilespmem:$0x8400] =	vst v63  }
0x40: {  	_ = 	snop  }
0x41: {  	[tilespmem:s12], [sflag:$0x1] =	stream.indirect.gather [hbm4b:s1+s6], $0x20, s11, s6, $0xb8;
	[tilespmem:$0x8400] =	vst v63  }
0x42: {  	_ = 	snop  }
0x43: {  	[tilespmem:s14], [sflag:$0x1] =	stream.indirect.gather [hbm4b:s1+s6], $0x20, s13, s6, $0xb8;
	[tilespmem:$0x8400] =	vst v63  }
0x44: {  	_ = 	snop  }
0x45: {  	[tilespmem:s16], [sflag:$0x1] =	stream.indirect.gather [hbm4b:s1+s6], $0x20, s15, s6, $0xb8;
	[tilespmem:$0x8400] =	vst v63  }
0x46: {  	_ = 	snop  }
0x47: {  	[tilespmem:s18], [sflag:$0x1] =	stream.indirect.gather [hbm4b:s1+s6], $0x20, s17, s6, $0xb8;
	[tilespmem:$0x8400] =	vst v63  }
0x48: {  	_ = 	snop  }
0x49: {  	[tilespmem:s20], [sflag:$0x1] =	stream.indirect.gather [hbm4b:s1+s6], $0x20, s19, s6, $0xb8;
	[tilespmem:$0x8400] =	vst v63  }
0x4a: {  	_ =	swait.ge [sflag:s21], $0x1000  }
0x4b: {  	[sflag:s21] =	ssyncset.done $0x0  }
0x4c: {  	[sflag:s21] =	ssyncadd.s32 $0xFFFFF000  }
0x4d: {  	_ =	swait.ge [sflag:s21], $0x1000  }
0x4e: {  	[sflag:s21] =	ssyncset.done $0x0  }
0x4f: {  	[sflag:s21] =	ssyncadd.s32 $0xFFFFF000  }
0x50: {  	_ =	swait.ge [sflag:s21], $0x1000  }
0x51: {  	[sflag:s21] =	ssyncset.done $0x0  }
0x52: {  	[sflag:s21] =	ssyncadd.s32 $0xFFFFF000  }
0x53: {  	_ =	swait.ge [sflag:s21], $0x1000  }
0x54: {  	[sflag:s21] =	ssyncset.done $0x0  }
0x55: {  	[sflag:s21] =	ssyncadd.s32 $0xFFFFF000  }
0x56: {  	_ =	swait.ge [sflag:s21], $0x1000  }
0x57: {  	[sflag:s21] =	ssyncset.done $0x0  }
0x58: {  	[sflag:s21] =	ssyncadd.s32 $0xFFFFF000  }
0x59: {  	_ =	swait.ge [sflag:s21], $0x1000  }
0x5a: {  	[sflag:s21] =	ssyncset.done $0x0  }
0x5b: {  	[sflag:s21] =	ssyncadd.s32 $0xFFFFF000  }
0x5c: {  	_ =	swait.ge [sflag:s21], $0x1000  }
0x5d: {  	[sflag:s21] =	ssyncset.done $0x0  }
0x5e: {  	[sflag:s21] =	ssyncadd.s32 $0xFFFFF000  }
0x5f: {  	_ =	swait.ge [sflag:s21], $0x1000  }
.Ltmp1:
0x60: {  	[sflag:s21] =	ssyncset.done $0x0;
	(pc) =	sbr.rel @p0 .LBB2_1-.Ltmp1, $4  }
0x61: {  	[sflag:s21] =	ssyncadd.s32 $0xFFFFF000  }
0x62: {  	[hbm4b:s22+s3] =	stream.linear.scatter [tilespmem:s7], [sflag:$0x2], $0x8000, $0x38;
	[tilespmem:$0x8400] =	vst v63  }
0x63: {  	_ =	swait.ge [sflag:s4], $0x8000  }
0x64: {  	[sflag:s4] =	ssyncset.done $0x0  }
.LBB2_2:
0x65: {  	[sflag:s4] =	ssyncadd.s32 $0xFFFF8000  }
0x66: {  	_ =	sfence.sel $0x180000  }
0x67: {  	[bflag:$0x0] =	sbarrier.arrive $0xFFFF  }
0x68: {  	p0 =	sne.s32 s0, $0x0;
	_ =	strace $0x90000047  }
0x69: {  	s0 =	sadd.s32 @!p0 $0x100000, s2;
	[bflag:$0x2] =	sbarrier.arrive $0xFFFF  }
0x6a: {  	[sflag:s0] =	ssyncadd.tile.s32 @!p0 $0x1;
	_ =	shalt  }
.Lfunc_end2:
_tile_overlayer_lowered:
.L_overlay_start_2:
0x6b: {  	(tag) =	ssettag $0x2  }
0x6c: {  	s0 =	rddreg [dreg:$0x0];
	s2 =	stileid.u32  }
0x6d: {  	s1 =	rddreg [dreg:$0x1];
	p0 =	sne.s32 s2, $0x0  }
0x6e: {  	s3 =	rddreg [dreg:$0x2];
	[bflag:$0x3] =	sbarrier.arrive $0xFFFF;
	s2 =	simm.s32 @!p0 $0x1C02  }
0x6f: {  	[timem:s3], [sflag:s2] =	dma.local @!p0 [hbm:s0], s1  }
0x70: {  	s0 =	simm.s32 @!p0 $0x2  }
0x71: {  	_ =	swait.ge @!p0 [sflag:s0], s1  }
0x72: {  	s1 =	ssub.s32 @!p0 $0x0, s1;
	[sflag:s0] =	ssyncset.done @!p0 $0x0  }
0x73: {  	[sflag:s0] =	ssyncadd.s32 @!p0 s1  }
0x74: {  	[bflag:$0x3] =	sbarrier.arrive $0xFFFF  }
0x75: {  	_ =	shalt  }

</sc_bundles>
